<compile_context>
chip_gen: v7x
topology: tpu7x:2x2x1
jax: 0.10.2.dev20260603
libtpu: 0.0.44.dev20260713+nightly
codegen_flags: <defaults>
</compile_context>

<pallas_src>
import functools

import jax
import jax.numpy as jnp
from jax import lax
from jax.experimental import pallas as pl
from jax.experimental.pallas import tpu as pltpu
from jax.experimental.pallas import tpu_sc as plsc

_N = 320000
_D = 128
_BAGS = 1000
_BINS = 1024
_NC = 2
_NS = 16
_NW = _NC * _NS
_L = 16
_CHUNK = _N // _NW
_BLK = 16384
_NPAD = 327680


def _row_scores_body(x_ref, w1_ref, b1_ref, w2_ref, s_ref):
    hT = lax.dot_general(w1_ref[...], x_ref[...], (((1,), (1,)), ((), ())),
                         preferred_element_type=jnp.float32)
    hT = jnp.maximum(hT + b1_ref[...], 0.0)
    srow = jnp.dot(w2_ref[...], hT, preferred_element_type=jnp.float32)
    s_ref[...] = srow.reshape(_BLK)


def _row_scores(x, w1, b1col, w2row):
    grid = _NPAD // _BLK
    return pl.pallas_call(
        _row_scores_body,
        grid=(grid,),
        in_specs=[
            pl.BlockSpec((_BLK, _D), lambda i: (i, 0)),
            pl.BlockSpec((_D, _D), lambda i: (0, 0)),
            pl.BlockSpec((_D, 1), lambda i: (0, 0)),
            pl.BlockSpec((1, _D), lambda i: (0, 0)),
        ],
        out_specs=pl.BlockSpec((_BLK,), lambda i: (i,)),
        out_shape=jax.ShapeDtypeStruct((_NPAD,), jnp.float32),
        compiler_params=pltpu.CompilerParams(
            dimension_semantics=("parallel",),
            vmem_limit_bytes=100 * 1024 * 1024,
        ),
    )(x, w1, b1col, w2row)


def _segment_partials_body(ids_hbm, s_hbm, out_hbm, ids_v, s_v, sums_v,
                           cnts_v, red_v):
    c = lax.axis_index("c")
    sub = lax.axis_index("s")
    wid = sub * _NC + c
    base = wid * _CHUNK
    pltpu.sync_copy(ids_hbm.at[pl.ds(base, _CHUNK)], ids_v)
    pltpu.sync_copy(s_hbm.at[pl.ds(base, _CHUNK)], s_v)

    zeros = jnp.zeros((_L,), jnp.float32)

    def zero_body(i, carry):
        sums_v[pl.ds(i * _L, _L)] = zeros
        cnts_v[pl.ds(i * _L, _L)] = zeros
        return carry

    lax.fori_loop(0, _BINS, zero_body, 0)

    lane = lax.iota(jnp.int32, _L)
    ones = jnp.ones((_L,), jnp.float32)

    def acc_body(i, carry):
        idv = ids_v[pl.ds(i * _L, _L)]
        sv = s_v[pl.ds(i * _L, _L)]
        flat = lane * _BINS + idv
        plsc.addupdate_scatter(sums_v, [flat], sv)
        plsc.addupdate_scatter(cnts_v, [flat], ones)
        return carry

    lax.fori_loop(0, _CHUNK // _L, acc_body, 0)

    def red_body(j, carry):
        accs = zeros
        accc = zeros
        for k in range(_L):
            accs = accs + sums_v[pl.ds(k * _BINS + j * _L, _L)]
            accc = accc + cnts_v[pl.ds(k * _BINS + j * _L, _L)]
        red_v[pl.ds(j * _L, _L)] = accs
        red_v[pl.ds(_BINS + j * _L, _L)] = accc
        return carry

    lax.fori_loop(0, _BINS // _L, red_body, 0)
    pltpu.sync_copy(red_v, out_hbm.at[wid])


def _segment_partials(ids, s):
    mesh = plsc.VectorSubcoreMesh(core_axis_name="c", subcore_axis_name="s")
    run = functools.partial(
        pl.kernel,
        mesh=mesh,
        out_type=jax.ShapeDtypeStruct((_NW, 2 * _BINS), jnp.float32),
        scratch_types=[
            pltpu.VMEM((_CHUNK,), jnp.int32),
            pltpu.VMEM((_CHUNK,), jnp.float32),
            pltpu.VMEM((_L * _BINS,), jnp.float32),
            pltpu.VMEM((_L * _BINS,), jnp.float32),
            pltpu.VMEM((2 * _BINS,), jnp.float32),
        ],
        compiler_params=pltpu.CompilerParams(needs_layout_passes=False,
                                             skip_device_barrier=True),
    )(_segment_partials_body)
    return run(ids, s)


def _finalize_body(p_ref, b2_ref, o_ref):
    tot = jnp.sum(p_ref[...], axis=0)
    sums = tot[:_BINS]
    cnts = tot[_BINS:]
    mean = sums / jnp.maximum(cnts, 1.0)
    o_ref[...] = mean + b2_ref[...]


def _finalize(partials, b2):
    return pl.pallas_call(
        _finalize_body,
        in_specs=[
            pl.BlockSpec((_NW, 2 * _BINS), lambda: (0, 0)),
            pl.BlockSpec((1,), lambda: (0,)),
        ],
        out_specs=pl.BlockSpec((_BINS,), lambda: (0,)),
        out_shape=jax.ShapeDtypeStruct((_BINS,), jnp.float32),
    )(partials, b2)


def kernel(x, ids, W1, b1, W2, b2):
    b1col = b1.reshape(_D, 1)
    w2row = W2.reshape(1, _D)
    ids32 = ids.astype(jnp.int32)
    s = _row_scores(x, W1, b1col, w2row)
    partials = _segment_partials(ids32, s)
    res = _finalize(partials, b2)
    return res[:_BAGS].reshape(_BAGS, 1)

# --- scband reference (transcript-rebuilt; emitter-appended) ---
"""Pipeline reference for scband-bag-model-40630390620760 (READ-ONLY COPY).

The authoritative reference and input builder live on the scoring server;
editing this copy changes nothing except your own understanding.
"""

import jax, jax.numpy as jnp
import numpy as np

N = 320000
D = 128
NUM_BAGS = 1000
OUT = 1


def setup_inputs(seed: int = 0) -> dict:
    key = jax.random.key(seed)
    k1, k2, k3, k4 = jax.random.split(key, 4)
    x = jax.random.normal(k1, (N, D), dtype=jnp.float32)
    ids = jnp.sort(jax.random.randint(k2, (N,), 0, NUM_BAGS))
    # prepNN = Linear(D, D) + ReLU
    W1 = jax.random.normal(k3, (D, D), dtype=jnp.float32) * (1.0 / np.sqrt(D))
    b1 = jnp.zeros((D,), dtype=jnp.float32)
    # afterNN = Linear(D, OUT)
    W2 = jax.random.normal(k4, (OUT, D), dtype=jnp.float32) * (1.0 / np.sqrt(D))
    b2 = jnp.zeros((OUT,), dtype=jnp.float32)
    return {"x": x, "ids": ids, "W1": W1, "b1": b1, "W2": W2, "b2": b2}


def reference(x, ids, W1, b1, W2, b2):
    # prepNN: per-instance MLP
    h = jnp.maximum(x @ W1.T + b1, 0.0)
    # aggregation_func = torch.mean over instances within each bag.
    # ids cover all values in [0, NUM_BAGS) w.h.p. (320k draws over 1000 bags),
    # so torch.unique(ids) == arange(NUM_BAGS) and the python loop over unique
    # bag ids is exactly a segment mean.
    sums = jax.ops.segment_sum(h, ids, num_segments=NUM_BAGS)
    counts = jax.ops.segment_sum(jnp.ones((x.shape[0],), jnp.float32), ids, num_segments=NUM_BAGS)
    mean = sums / jnp.maximum(counts, 1.0)[:, None]
    # afterNN: per-bag head
    out = mean @ W2.T + b2
    return out

if __name__ == "__main__":
    import jax
    _d = setup_inputs()
    print(jax.jit(kernel)(*tuple(_d.values())))

</pallas_src>

<mosaic_0001>
#map = affine_map<(d0, d1) -> (0)>
#map1 = affine_map<(d0, d1) -> (0, 0)>
module attributes {stable_mosaic.version = 14 : i64} {
  func.func @_segment_partials_body(%arg0: i32, %arg1: i32, %arg2: memref<320000xi32, #tpu.memory_space<hbm>>, %arg3: memref<327680xf32, #tpu.memory_space<hbm>>, %arg4: memref<32x2048xf32, #tpu.memory_space<hbm>>, %arg5: memref<10000xi32, #tpu.memory_space<vmem>>, %arg6: memref<10000xf32, #tpu.memory_space<vmem>>, %arg7: memref<16384xf32, #tpu.memory_space<vmem>>, %arg8: memref<16384xf32, #tpu.memory_space<vmem>>, %arg9: memref<2048xf32, #tpu.memory_space<vmem>>) attributes {dimension_semantics = [#tpu.dimension_semantics<core_parallel>, #tpu.dimension_semantics<subcore_parallel>], iteration_bounds = array<i64: 2, 16>, scalar_prefetch = 0 : i64, scratch_operands = 5 : i64, tpu.core_type = #tpu.core_type<sc_vector_subcore>, window_params = [{transform_indices = #map}, {transform_indices = #map}, {transform_indices = #map1}]} {
    %mul3A = arith.constant 2 : i32
    %mul3A_0 = arith.muli %arg1, %mul3A : i32
    %add3A = arith.addi %mul3A_0, %arg0 : i32
    %mul3A_1 = arith.constant 10000 : i32
    %mul3A_2 = arith.muli %add3A, %mul3A_1 : i32
    "tpu.region"() ({
      %run_scoped3A = tpu.sem_alloc : memref<!tpu.dma_semaphore, #tpu.memory_space<semaphore_mem>>
      %dma_start3A = tpu.memref_slice %arg2[%mul3A_2] : memref<320000xi32, #tpu.memory_space<hbm>> -> memref<10000xi32, #tpu.memory_space<hbm>>
      %dma_start3A_23 = tpu.memref_slice %arg2[%mul3A_2] : memref<320000xi32, #tpu.memory_space<hbm>> -> memref<10000xi32, #tpu.memory_space<hbm>>
      tpu.enqueue_dma source(%dma_start3A_23 : memref<10000xi32, #tpu.memory_space<hbm>>) target(%arg5 : memref<10000xi32, #tpu.memory_space<vmem>>) target_semaphore(%run_scoped3A : memref<!tpu.dma_semaphore, #tpu.memory_space<semaphore_mem>>)
      %dma_wait3A = tpu.memref_slice %arg2[%mul3A_2] : memref<320000xi32, #tpu.memory_space<hbm>> -> memref<10000xi32, #tpu.memory_space<hbm>>
      %dma_wait3A_24 = tpu.memref_slice %arg2[%mul3A_2] : memref<320000xi32, #tpu.memory_space<hbm>> -> memref<10000xi32, #tpu.memory_space<hbm>>
      tpu.wait_dma2 semaphore(%run_scoped3A : memref<!tpu.dma_semaphore, #tpu.memory_space<semaphore_mem>>) src(%dma_wait3A_24 : memref<10000xi32, #tpu.memory_space<hbm>>) dst(%arg5 : memref<10000xi32, #tpu.memory_space<vmem>>)
      tpu.yield
    }) : () -> ()
    "tpu.region"() ({
      %run_scoped3A = tpu.sem_alloc : memref<!tpu.dma_semaphore, #tpu.memory_space<semaphore_mem>>
      %dma_start3A = tpu.memref_slice %arg3[%mul3A_2] : memref<327680xf32, #tpu.memory_space<hbm>> -> memref<10000xf32, #tpu.memory_space<hbm>>
      %dma_start3A_23 = tpu.memref_slice %arg3[%mul3A_2] : memref<327680xf32, #tpu.memory_space<hbm>> -> memref<10000xf32, #tpu.memory_space<hbm>>
      tpu.enqueue_dma source(%dma_start3A_23 : memref<10000xf32, #tpu.memory_space<hbm>>) target(%arg6 : memref<10000xf32, #tpu.memory_space<vmem>>) target_semaphore(%run_scoped3A : memref<!tpu.dma_semaphore, #tpu.memory_space<semaphore_mem>>)
      %dma_wait3A = tpu.memref_slice %arg3[%mul3A_2] : memref<327680xf32, #tpu.memory_space<hbm>> -> memref<10000xf32, #tpu.memory_space<hbm>>
      %dma_wait3A_24 = tpu.memref_slice %arg3[%mul3A_2] : memref<327680xf32, #tpu.memory_space<hbm>> -> memref<10000xf32, #tpu.memory_space<hbm>>
      tpu.wait_dma2 semaphore(%run_scoped3A : memref<!tpu.dma_semaphore, #tpu.memory_space<semaphore_mem>>) src(%dma_wait3A_24 : memref<10000xf32, #tpu.memory_space<hbm>>) dst(%arg6 : memref<10000xf32, #tpu.memory_space<vmem>>)
      tpu.yield
    }) : () -> ()
    %broadcast_in_dim3A = arith.constant 0.000000e+00 : f32
    %broadcast_in_dim3A_3 = vector.broadcast %broadcast_in_dim3A : f32 to vector<16xf32>
    %scan3A = arith.constant 0 : i32
    %scan3A_4 = arith.constant 0 : i32
    %scan3A_5 = arith.constant 1024 : i32
    %scan3A_6 = arith.addi %scan3A_4, %scan3A_5 : i32
    %scan3A_7 = arith.constant 1 : i32
    scf.for %scan3A_23 = %scan3A_4 to %scan3A_6 step %scan3A_7  : i32 {
      %mul3A_24 = arith.constant 16 : i32
      %mul3A_25 = arith.muli %scan3A_23, %mul3A_24 : i32
      %swap3A = arith.index_cast %mul3A_25 : i32 to index
      %swap3A_26 = tpu.vector_load %arg7[%swap3A] {strides = array<i32>} : memref<16384xf32, #tpu.memory_space<vmem>>, vector<16xf32>,
      tpu.vector_store %arg7[%swap3A], %broadcast_in_dim3A_3 {strides = array<i32>} : memref<16384xf32, #tpu.memory_space<vmem>>, vector<16xf32>,
      %mul3A_27 = arith.constant 16 : i32
      %mul3A_28 = arith.muli %scan3A_23, %mul3A_27 : i32
      %swap3A_29 = arith.index_cast %mul3A_28 : i32 to index
      %swap3A_30 = tpu.vector_load %arg8[%swap3A_29] {strides = array<i32>} : memref<16384xf32, #tpu.memory_space<vmem>>, vector<16xf32>,
      tpu.vector_store %arg8[%swap3A_29], %broadcast_in_dim3A_3 {strides = array<i32>} : memref<16384xf32, #tpu.memory_space<vmem>>, vector<16xf32>,
    }
    %scan3A_8 = arith.constant 1024 : i32
    %iota3A = tpu.iota {dimensions = array<i32: 0>} : vector<16xi32>
    %broadcast_in_dim3A_9 = arith.constant 1.000000e+00 : f32
    %broadcast_in_dim3A_10 = vector.broadcast %broadcast_in_dim3A_9 : f32 to vector<16xf32>
    %scan3A_11 = arith.constant 0 : i32
    %scan3A_12 = arith.constant 0 : i32
    %scan3A_13 = arith.constant 625 : i32
    %scan3A_14 = arith.addi %scan3A_12, %scan3A_13 : i32
    %scan3A_15 = arith.constant 1 : i32
    scf.for %scan3A_23 = %scan3A_12 to %scan3A_14 step %scan3A_15  : i32 {
      %mul3A_24 = arith.constant 16 : i32
      %mul3A_25 = arith.muli %scan3A_23, %mul3A_24 : i32
      %get3A = arith.index_cast %mul3A_25 : i32 to index
      %get3A_26 = tpu.vector_load %arg5[%get3A] {strides = array<i32>} : memref<10000xi32, #tpu.memory_space<vmem>>, vector<16xi32>,
      %mul3A_27 = arith.constant 16 : i32
      %mul3A_28 = arith.muli %scan3A_23, %mul3A_27 : i32
      %get3A_29 = arith.index_cast %mul3A_28 : i32 to index
      %get3A_30 = tpu.vector_load %arg6[%get3A_29] {strides = array<i32>} : memref<10000xf32, #tpu.memory_space<vmem>>, vector<16xf32>,
      %mul3A_31 = arith.constant 1024 : i32
      %mul3A_32 = vector.broadcast %mul3A_31 : i32 to vector<16xi32>
      %mul3A_33 = arith.muli %iota3A, %mul3A_32 : vector<16xi32>
      %add3A_34 = arith.addi %mul3A_33, %get3A_26 : vector<16xi32>
      tpu.vector_store_idx %arg7[%add3A_34], %get3A_30 {add = true} : memref<16384xf32, #tpu.memory_space<vmem>>[vector<16xi32>], vector<16xf32>,
      tpu.vector_store_idx %arg8[%add3A_34], %broadcast_in_dim3A_10 {add = true} : memref<16384xf32, #tpu.memory_space<vmem>>[vector<16xi32>], vector<16xf32>,
    }
    %scan3A_16 = arith.constant 625 : i32
    %scan3A_17 = arith.constant 0 : i32
    %scan3A_18 = arith.constant 0 : i32
    %scan3A_19 = arith.constant 64 : i32
    %scan3A_20 = arith.addi %scan3A_18, %scan3A_19 : i32
    %scan3A_21 = arith.constant 1 : i32
    scf.for %scan3A_23 = %scan3A_18 to %scan3A_20 step %scan3A_21  : i32 {
      %mul3A_24 = arith.constant 16 : i32
      %mul3A_25 = arith.muli %scan3A_23, %mul3A_24 : i32
      %add3A_26 = arith.constant 0 : i32
      %add3A_27 = arith.addi %add3A_26, %mul3A_25 : i32
      %get3A = arith.index_cast %add3A_27 : i32 to index
      %get3A_28 = tpu.vector_load %arg7[%get3A] {strides = array<i32>} : memref<16384xf32, #tpu.memory_space<vmem>>, vector<16xf32>,
      %add3A_29 = arith.addf %broadcast_in_dim3A_3, %get3A_28 : vector<16xf32>
      %mul3A_30 = arith.constant 16 : i32
      %mul3A_31 = arith.muli %scan3A_23, %mul3A_30 : i32
      %add3A_32 = arith.constant 0 : i32
      %add3A_33 = arith.addi %add3A_32, %mul3A_31 : i32
      %get3A_34 = arith.index_cast %add3A_33 : i32 to index
      %get3A_35 = tpu.vector_load %arg8[%get3A_34] {strides = array<i32>} : memref<16384xf32, #tpu.memory_space<vmem>>, vector<16xf32>,
      %add3A_36 = arith.addf %broadcast_in_dim3A_3, %get3A_35 : vector<16xf32>
      %mul3A_37 = arith.constant 16 : i32
      %mul3A_38 = arith.muli %scan3A_23, %mul3A_37 : i32
      %add3A_39 = arith.constant 1024 : i32
      %add3A_40 = arith.addi %add3A_39, %mul3A_38 : i32
      %get3A_41 = arith.index_cast %add3A_40 : i32 to index
      %get3A_42 = tpu.vector_load %arg7[%get3A_41] {strides = array<i32>} : memref<16384xf32, #tpu.memory_space<vmem>>, vector<16xf32>,
      %add3A_43 = arith.addf %add3A_29, %get3A_42 : vector<16xf32>
      %mul3A_44 = arith.constant 16 : i32
      %mul3A_45 = arith.muli %scan3A_23, %mul3A_44 : i32
      %add3A_46 = arith.constant 1024 : i32
      %add3A_47 = arith.addi %add3A_46, %mul3A_45 : i32
      %get3A_48 = arith.index_cast %add3A_47 : i32 to index
      %get3A_49 = tpu.vector_load %arg8[%get3A_48] {strides = array<i32>} : memref<16384xf32, #tpu.memory_space<vmem>>, vector<16xf32>,
      %add3A_50 = arith.addf %add3A_36, %get3A_49 : vector<16xf32>
      %mul3A_51 = arith.constant 16 : i32
      %mul3A_52 = arith.muli %scan3A_23, %mul3A_51 : i32
      %add3A_53 = arith.constant 2048 : i32
      %add3A_54 = arith.addi %add3A_53, %mul3A_52 : i32
      %get3A_55 = arith.index_cast %add3A_54 : i32 to index
      %get3A_56 = tpu.vector_load %arg7[%get3A_55] {strides = array<i32>} : memref<16384xf32, #tpu.memory_space<vmem>>, vector<16xf32>,
      %add3A_57 = arith.addf %add3A_43, %get3A_56 : vector<16xf32>
      %mul3A_58 = arith.constant 16 : i32
      %mul3A_59 = arith.muli %scan3A_23, %mul3A_58 : i32
      %add3A_60 = arith.constant 2048 : i32
      %add3A_61 = arith.addi %add3A_60, %mul3A_59 : i32
      %get3A_62 = arith.index_cast %add3A_61 : i32 to index
      %get3A_63 = tpu.vector_load %arg8[%get3A_62] {strides = array<i32>} : memref<16384xf32, #tpu.memory_space<vmem>>, vector<16xf32>,
      %add3A_64 = arith.addf %add3A_50, %get3A_63 : vector<16xf32>
      %mul3A_65 = arith.constant 16 : i32
      %mul3A_66 = arith.muli %scan3A_23, %mul3A_65 : i32
      %add3A_67 = arith.constant 3072 : i32
      %add3A_68 = arith.addi %add3A_67, %mul3A_66 : i32
      %get3A_69 = arith.index_cast %add3A_68 : i32 to index
      %get3A_70 = tpu.vector_load %arg7[%get3A_69] {strides = array<i32>} : memref<16384xf32, #tpu.memory_space<vmem>>, vector<16xf32>,
      %add3A_71 = arith.addf %add3A_57, %get3A_70 : vector<16xf32>
      %mul3A_72 = arith.constant 16 : i32
      %mul3A_73 = arith.muli %scan3A_23, %mul3A_72 : i32
      %add3A_74 = arith.constant 3072 : i32
      %add3A_75 = arith.addi %add3A_74, %mul3A_73 : i32
      %get3A_76 = arith.index_cast %add3A_75 : i32 to index
      %get3A_77 = tpu.vector_load %arg8[%get3A_76] {strides = array<i32>} : memref<16384xf32, #tpu.memory_space<vmem>>, vector<16xf32>,
      %add3A_78 = arith.addf %add3A_64, %get3A_77 : vector<16xf32>
      %mul3A_79 = arith.constant 16 : i32
      %mul3A_80 = arith.muli %scan3A_23, %mul3A_79 : i32
      %add3A_81 = arith.constant 4096 : i32
      %add3A_82 = arith.addi %add3A_81, %mul3A_80 : i32
      %get3A_83 = arith.index_cast %add3A_82 : i32 to index
      %get3A_84 = tpu.vector_load %arg7[%get3A_83] {strides = array<i32>} : memref<16384xf32, #tpu.memory_space<vmem>>, vector<16xf32>,
      %add3A_85 = arith.addf %add3A_71, %get3A_84 : vector<16xf32>
      %mul3A_86 = arith.constant 16 : i32
      %mul3A_87 = arith.muli %scan3A_23, %mul3A_86 : i32
      %add3A_88 = arith.constant 4096 : i32
      %add3A_89 = arith.addi %add3A_88, %mul3A_87 : i32
      %get3A_90 = arith.index_cast %add3A_89 : i32 to index
      %get3A_91 = tpu.vector_load %arg8[%get3A_90] {strides = array<i32>} : memref<16384xf32, #tpu.memory_space<vmem>>, vector<16xf32>,
      %add3A_92 = arith.addf %add3A_78, %get3A_91 : vector<16xf32>
      %mul3A_93 = arith.constant 16 : i32
      %mul3A_94 = arith.muli %scan3A_23, %mul3A_93 : i32
      %add3A_95 = arith.constant 5120 : i32
      %add3A_96 = arith.addi %add3A_95, %mul3A_94 : i32
      %get3A_97 = arith.index_cast %add3A_96 : i32 to index
      %get3A_98 = tpu.vector_load %arg7[%get3A_97] {strides = array<i32>} : memref<16384xf32, #tpu.memory_space<vmem>>, vector<16xf32>,
      %add3A_99 = arith.addf %add3A_85, %get3A_98 : vector<16xf32>
      %mul3A_100 = arith.constant 16 : i32
      %mul3A_101 = arith.muli %scan3A_23, %mul3A_100 : i32
      %add3A_102 = arith.constant 5120 : i32
      %add3A_103 = arith.addi %add3A_102, %mul3A_101 : i32
      %get3A_104 = arith.index_cast %add3A_103 : i32 to index
      %get3A_105 = tpu.vector_load %arg8[%get3A_104] {strides = array<i32>} : memref<16384xf32, #tpu.memory_space<vmem>>, vector<16xf32>,
      %add3A_106 = arith.addf %add3A_92, %get3A_105 : vector<16xf32>
      %mul3A_107 = arith.constant 16 : i32
      %mul3A_108 = arith.muli %scan3A_23, %mul3A_107 : i32
      %add3A_109 = arith.constant 6144 : i32
      %add3A_110 = arith.addi %add3A_109, %mul3A_108 : i32
      %get3A_111 = arith.index_cast %add3A_110 : i32 to index
      %get3A_112 = tpu.vector_load %arg7[%get3A_111] {strides = array<i32>} : memref<16384xf32, #tpu.memory_space<vmem>>, vector<16xf32>,
      %add3A_113 = arith.addf %add3A_99, %get3A_112 : vector<16xf32>
      %mul3A_114 = arith.constant 16 : i32
      %mul3A_115 = arith.muli %scan3A_23, %mul3A_114 : i32
      %add3A_116 = arith.constant 6144 : i32
      %add3A_117 = arith.addi %add3A_116, %mul3A_115 : i32
      %get3A_118 = arith.index_cast %add3A_117 : i32 to index
      %get3A_119 = tpu.vector_load %arg8[%get3A_118] {strides = array<i32>} : memref<16384xf32, #tpu.memory_space<vmem>>, vector<16xf32>,
      %add3A_120 = arith.addf %add3A_106, %get3A_119 : vector<16xf32>
      %mul3A_121 = arith.constant 16 : i32
      %mul3A_122 = arith.muli %scan3A_23, %mul3A_121 : i32
      %add3A_123 = arith.constant 7168 : i32
      %add3A_124 = arith.addi %add3A_123, %mul3A_122 : i32
      %get3A_125 = arith.index_cast %add3A_124 : i32 to index
      %get3A_126 = tpu.vector_load %arg7[%get3A_125] {strides = array<i32>} : memref<16384xf32, #tpu.memory_space<vmem>>, vector<16xf32>,
      %add3A_127 = arith.addf %add3A_113, %get3A_126 : vector<16xf32>
      %mul3A_128 = arith.constant 16 : i32
      %mul3A_129 = arith.muli %scan3A_23, %mul3A_128 : i32
      %add3A_130 = arith.constant 7168 : i32
      %add3A_131 = arith.addi %add3A_130, %mul3A_129 : i32
      %get3A_132 = arith.index_cast %add3A_131 : i32 to index
      %get3A_133 = tpu.vector_load %arg8[%get3A_132] {strides = array<i32>} : memref<16384xf32, #tpu.memory_space<vmem>>, vector<16xf32>,
      %add3A_134 = arith.addf %add3A_120, %get3A_133 : vector<16xf32>
      %mul3A_135 = arith.constant 16 : i32
      %mul3A_136 = arith.muli %scan3A_23, %mul3A_135 : i32
      %add3A_137 = arith.constant 8192 : i32
      %add3A_138 = arith.addi %add3A_137, %mul3A_136 : i32
      %get3A_139 = arith.index_cast %add3A_138 : i32 to index
      %get3A_140 = tpu.vector_load %arg7[%get3A_139] {strides = array<i32>} : memref<16384xf32, #tpu.memory_space<vmem>>, vector<16xf32>,
      %add3A_141 = arith.addf %add3A_127, %get3A_140 : vector<16xf32>
      %mul3A_142 = arith.constant 16 : i32
      %mul3A_143 = arith.muli %scan3A_23, %mul3A_142 : i32
      %add3A_144 = arith.constant 8192 : i32
      %add3A_145 = arith.addi %add3A_144, %mul3A_143 : i32
      %get3A_146 = arith.index_cast %add3A_145 : i32 to index
      %get3A_147 = tpu.vector_load %arg8[%get3A_146] {strides = array<i32>} : memref<16384xf32, #tpu.memory_space<vmem>>, vector<16xf32>,
      %add3A_148 = arith.addf %add3A_134, %get3A_147 : vector<16xf32>
      %mul3A_149 = arith.constant 16 : i32
      %mul3A_150 = arith.muli %scan3A_23, %mul3A_149 : i32
      %add3A_151 = arith.constant 9216 : i32
      %add3A_152 = arith.addi %add3A_151, %mul3A_150 : i32
      %get3A_153 = arith.index_cast %add3A_152 : i32 to index
      %get3A_154 = tpu.vector_load %arg7[%get3A_153] {strides = array<i32>} : memref<16384xf32, #tpu.memory_space<vmem>>, vector<16xf32>,
      %add3A_155 = arith.addf %add3A_141, %get3A_154 : vector<16xf32>
      %mul3A_156 = arith.constant 16 : i32
      %mul3A_157 = arith.muli %scan3A_23, %mul3A_156 : i32
      %add3A_158 = arith.constant 9216 : i32
      %add3A_159 = arith.addi %add3A_158, %mul3A_157 : i32
      %get3A_160 = arith.index_cast %add3A_159 : i32 to index
      %get3A_161 = tpu.vector_load %arg8[%get3A_160] {strides = array<i32>} : memref<16384xf32, #tpu.memory_space<vmem>>, vector<16xf32>,
      %add3A_162 = arith.addf %add3A_148, %get3A_161 : vector<16xf32>
      %mul3A_163 = arith.constant 16 : i32
      %mul3A_164 = arith.muli %scan3A_23, %mul3A_163 : i32
      %add3A_165 = arith.constant 10240 : i32
      %add3A_166 = arith.addi %add3A_165, %mul3A_164 : i32
      %get3A_167 = arith.index_cast %add3A_166 : i32 to index
      %get3A_168 = tpu.vector_load %arg7[%get3A_167] {strides = array<i32>} : memref<16384xf32, #tpu.memory_space<vmem>>, vector<16xf32>,
      %add3A_169 = arith.addf %add3A_155, %get3A_168 : vector<16xf32>
      %mul3A_170 = arith.constant 16 : i32
      %mul3A_171 = arith.muli %scan3A_23, %mul3A_170 : i32
      %add3A_172 = arith.constant 10240 : i32
      %add3A_173 = arith.addi %add3A_172, %mul3A_171 : i32
      %get3A_174 = arith.index_cast %add3A_173 : i32 to index
      %get3A_175 = tpu.vector_load %arg8[%get3A_174] {strides = array<i32>} : memref<16384xf32, #tpu.memory_space<vmem>>, vector<16xf32>,
      %add3A_176 = arith.addf %add3A_162, %get3A_175 : vector<16xf32>
      %mul3A_177 = arith.constant 16 : i32
      %mul3A_178 = arith.muli %scan3A_23, %mul3A_177 : i32
      %add3A_179 = arith.constant 11264 : i32
      %add3A_180 = arith.addi %add3A_179, %mul3A_178 : i32
      %get3A_181 = arith.index_cast %add3A_180 : i32 to index
      %get3A_182 = tpu.vector_load %arg7[%get3A_181] {strides = array<i32>} : memref<16384xf32, #tpu.memory_space<vmem>>, vector<16xf32>,
      %add3A_183 = arith.addf %add3A_169, %get3A_182 : vector<16xf32>
      %mul3A_184 = arith.constant 16 : i32
      %mul3A_185 = arith.muli %scan3A_23, %mul3A_184 : i32
      %add3A_186 = arith.constant 11264 : i32
      %add3A_187 = arith.addi %add3A_186, %mul3A_185 : i32
      %get3A_188 = arith.index_cast %add3A_187 : i32 to index
      %get3A_189 = tpu.vector_load %arg8[%get3A_188] {strides = array<i32>} : memref<16384xf32, #tpu.memory_space<vmem>>, vector<16xf32>,
      %add3A_190 = arith.addf %add3A_176, %get3A_189 : vector<16xf32>
      %mul3A_191 = arith.constant 16 : i32
      %mul3A_192 = arith.muli %scan3A_23, %mul3A_191 : i32
      %add3A_193 = arith.constant 12288 : i32
      %add3A_194 = arith.addi %add3A_193, %mul3A_192 : i32
      %get3A_195 = arith.index_cast %add3A_194 : i32 to index
      %get3A_196 = tpu.vector_load %arg7[%get3A_195] {strides = array<i32>} : memref<16384xf32, #tpu.memory_space<vmem>>, vector<16xf32>,
      %add3A_197 = arith.addf %add3A_183, %get3A_196 : vector<16xf32>
      %mul3A_198 = arith.constant 16 : i32
      %mul3A_199 = arith.muli %scan3A_23, %mul3A_198 : i32
      %add3A_200 = arith.constant 12288 : i32
      %add3A_201 = arith.addi %add3A_200, %mul3A_199 : i32
      %get3A_202 = arith.index_cast %add3A_201 : i32 to index
      %get3A_203 = tpu.vector_load %arg8[%get3A_202] {strides = array<i32>} : memref<16384xf32, #tpu.memory_space<vmem>>, vector<16xf32>,
      %add3A_204 = arith.addf %add3A_190, %get3A_203 : vector<16xf32>
      %mul3A_205 = arith.constant 16 : i32
      %mul3A_206 = arith.muli %scan3A_23, %mul3A_205 : i32
      %add3A_207 = arith.constant 13312 : i32
      %add3A_208 = arith.addi %add3A_207, %mul3A_206 : i32
      %get3A_209 = arith.index_cast %add3A_208 : i32 to index
      %get3A_210 = tpu.vector_load %arg7[%get3A_209] {strides = array<i32>} : memref<16384xf32, #tpu.memory_space<vmem>>, vector<16xf32>,
      %add3A_211 = arith.addf %add3A_197, %get3A_210 : vector<16xf32>
      %mul3A_212 = arith.constant 16 : i32
      %mul3A_213 = arith.muli %scan3A_23, %mul3A_212 : i32
      %add3A_214 = arith.constant 13312 : i32
      %add3A_215 = arith.addi %add3A_214, %mul3A_213 : i32
      %get3A_216 = arith.index_cast %add3A_215 : i32 to index
      %get3A_217 = tpu.vector_load %arg8[%get3A_216] {strides = array<i32>} : memref<16384xf32, #tpu.memory_space<vmem>>, vector<16xf32>,
      %add3A_218 = arith.addf %add3A_204, %get3A_217 : vector<16xf32>
      %mul3A_219 = arith.constant 16 : i32
      %mul3A_220 = arith.muli %scan3A_23, %mul3A_219 : i32
      %add3A_221 = arith.constant 14336 : i32
      %add3A_222 = arith.addi %add3A_221, %mul3A_220 : i32
      %get3A_223 = arith.index_cast %add3A_222 : i32 to index
      %get3A_224 = tpu.vector_load %arg7[%get3A_223] {strides = array<i32>} : memref<16384xf32, #tpu.memory_space<vmem>>, vector<16xf32>,
      %add3A_225 = arith.addf %add3A_211, %get3A_224 : vector<16xf32>
      %mul3A_226 = arith.constant 16 : i32
      %mul3A_227 = arith.muli %scan3A_23, %mul3A_226 : i32
      %add3A_228 = arith.constant 14336 : i32
      %add3A_229 = arith.addi %add3A_228, %mul3A_227 : i32
      %get3A_230 = arith.index_cast %add3A_229 : i32 to index
      %get3A_231 = tpu.vector_load %arg8[%get3A_230] {strides = array<i32>} : memref<16384xf32, #tpu.memory_space<vmem>>, vector<16xf32>,
      %add3A_232 = arith.addf %add3A_218, %get3A_231 : vector<16xf32>
      %mul3A_233 = arith.constant 16 : i32
      %mul3A_234 = arith.muli %scan3A_23, %mul3A_233 : i32
      %add3A_235 = arith.constant 15360 : i32
      %add3A_236 = arith.addi %add3A_235, %mul3A_234 : i32
      %get3A_237 = arith.index_cast %add3A_236 : i32 to index
      %get3A_238 = tpu.vector_load %arg7[%get3A_237] {strides = array<i32>} : memref<16384xf32, #tpu.memory_space<vmem>>, vector<16xf32>,
      %add3A_239 = arith.addf %add3A_225, %get3A_238 : vector<16xf32>
      %mul3A_240 = arith.constant 16 : i32
      %mul3A_241 = arith.muli %scan3A_23, %mul3A_240 : i32
      %add3A_242 = arith.constant 15360 : i32
      %add3A_243 = arith.addi %add3A_242, %mul3A_241 : i32
      %get3A_244 = arith.index_cast %add3A_243 : i32 to index
      %get3A_245 = tpu.vector_load %arg8[%get3A_244] {strides = array<i32>} : memref<16384xf32, #tpu.memory_space<vmem>>, vector<16xf32>,
      %add3A_246 = arith.addf %add3A_232, %get3A_245 : vector<16xf32>
      %mul3A_247 = arith.constant 16 : i32
      %mul3A_248 = arith.muli %scan3A_23, %mul3A_247 : i32
      %swap3A = arith.index_cast %mul3A_248 : i32 to index
      %swap3A_249 = tpu.vector_load %arg9[%swap3A] {strides = array<i32>} : memref<2048xf32, #tpu.memory_space<vmem>>, vector<16xf32>,
      tpu.vector_store %arg9[%swap3A], %add3A_239 {strides = array<i32>} : memref<2048xf32, #tpu.memory_space<vmem>>, vector<16xf32>,
      %mul3A_250 = arith.constant 16 : i32
      %mul3A_251 = arith.muli %scan3A_23, %mul3A_250 : i32
      %add3A_252 = arith.constant 1024 : i32
      %add3A_253 = arith.addi %add3A_252, %mul3A_251 : i32
      %swap3A_254 = arith.index_cast %add3A_253 : i32 to index
      %swap3A_255 = tpu.vector_load %arg9[%swap3A_254] {strides = array<i32>} : memref<2048xf32, #tpu.memory_space<vmem>>, vector<16xf32>,
      tpu.vector_store %arg9[%swap3A_254], %add3A_246 {strides = array<i32>} : memref<2048xf32, #tpu.memory_space<vmem>>, vector<16xf32>,
    }
    %scan3A_22 = arith.constant 64 : i32
    "tpu.region"() ({
      %run_scoped3A = tpu.sem_alloc : memref<!tpu.dma_semaphore, #tpu.memory_space<semaphore_mem>>
      %dma_start3A = arith.constant 0 : i32
      %dma_start3A_23 = tpu.memref_slice %arg4[%add3A, %dma_start3A] : memref<32x2048xf32, #tpu.memory_space<hbm>> -> memref<1x2048xf32, #tpu.memory_space<hbm>>
      %dma_start3A_24 = tpu.memref_squeeze %dma_start3A_23 : memref<1x2048xf32, #tpu.memory_space<hbm>> -> memref<2048xf32, #tpu.memory_space<hbm>>
      %dma_start3A_25 = arith.constant 0 : i32
      %dma_start3A_26 = tpu.memref_slice %arg4[%add3A, %dma_start3A_25] : memref<32x2048xf32, #tpu.memory_space<hbm>> -> memref<1x2048xf32, #tpu.memory_space<hbm>>
      %dma_start3A_27 = tpu.memref_squeeze %dma_start3A_26 : memref<1x2048xf32, #tpu.memory_space<hbm>> -> memref<2048xf32, #tpu.memory_space<hbm>>
      tpu.enqueue_dma source(%arg9 : memref<2048xf32, #tpu.memory_space<vmem>>) target(%dma_start3A_27 : memref<2048xf32, #tpu.memory_space<hbm>>) target_semaphore(%run_scoped3A : memref<!tpu.dma_semaphore, #tpu.memory_space<semaphore_mem>>)
      %dma_wait3A = arith.constant 0 : i32
      %dma_wait3A_28 = tpu.memref_slice %arg4[%add3A, %dma_wait3A] : memref<32x2048xf32, #tpu.memory_space<hbm>> -> memref<1x2048xf32, #tpu.memory_space<hbm>>
      %dma_wait3A_29 = tpu.memref_squeeze %dma_wait3A_28 : memref<1x2048xf32, #tpu.memory_space<hbm>> -> memref<2048xf32, #tpu.memory_space<hbm>>
      %dma_wait3A_30 = arith.constant 0 : i32
      %dma_wait3A_31 = tpu.memref_slice %arg4[%add3A, %dma_wait3A_30] : memref<32x2048xf32, #tpu.memory_space<hbm>> -> memref<1x2048xf32, #tpu.memory_space<hbm>>
      %dma_wait3A_32 = tpu.memref_squeeze %dma_wait3A_31 : memref<1x2048xf32, #tpu.memory_space<hbm>> -> memref<2048xf32, #tpu.memory_space<hbm>>
      tpu.wait_dma2 semaphore(%run_scoped3A : memref<!tpu.dma_semaphore, #tpu.memory_space<semaphore_mem>>) src(%arg9 : memref<2048xf32, #tpu.memory_space<vmem>>) dst(%dma_wait3A_32 : memref<2048xf32, #tpu.memory_space<hbm>>)
      tpu.yield
    }) : () -> ()
    return
  }
}

module attributes {stable_mosaic.version = 14 : i64} {
  func.func @_row_scores_body(%arg0: i32, %arg1: memref<16384x128xf32, #tpu.memory_space<vmem>>, %arg2: memref<128x128xf32, #tpu.memory_space<vmem>>, %arg3: memref<128x1xf32, #tpu.memory_space<vmem>>, %arg4: memref<1x128xf32, #tpu.memory_space<vmem>>, %arg5: memref<16384xf32, #tpu.memory_space<vmem>>) attributes {dimension_semantics = [#tpu.dimension_semantics<parallel>], iteration_bounds = array<i64: 20>, scalar_prefetch = 0 : i64, scratch_operands = 0 : i64, tpu.core_type = #tpu.core_type<tc>, window_params = [{transform_indices = @transform_0, window_bounds = array<i64: 16384, 128>}, {pipeline_mode = #tpu.pipeline_mode<synchronous>, transform_indices = @transform_1, window_bounds = array<i64: 128, 128>}, {pipeline_mode = #tpu.pipeline_mode<synchronous>, transform_indices = @transform_2, window_bounds = array<i64: 128, 1>}, {pipeline_mode = #tpu.pipeline_mode<synchronous>, transform_indices = @transform_3, window_bounds = array<i64: 1, 128>}, {transform_indices = @transform_4, window_bounds = array<i64: 16384>}]} {
    %get3A = arith.constant 0 : index
    %get3A_0 = arith.constant 0 : index
    %get3A_1 = vector.load %arg2[%get3A, %get3A_0] : memref<128x128xf32, #tpu.memory_space<vmem>>, vector<128x128xf32>
    %get3A_2 = arith.constant 0 : index
    %get3A_3 = arith.constant 0 : index
    %get3A_4 = vector.load %arg1[%get3A_2, %get3A_3] : memref<16384x128xf32, #tpu.memory_space<vmem>>, vector<16384x128xf32>
    %dot_general3A = arith.constant dense<0.000000e+00> : vector<128x16384xf32>
    %dot_general3A_5 = tpu.matmul %get3A_1, %get3A_4, %dot_general3A {dimension_numbers = #tpu.dot_dimension_numbers<[1], [1], [0], [0], [0, 0, 1, 0], [], []>, transpose_lhs_hint = false} : vector<128x128xf32>, vector<16384x128xf32>, vector<128x16384xf32> -> vector<128x16384xf32>
    %get3A_6 = arith.constant 0 : index
    %get3A_7 = arith.constant 0 : index
    %get3A_8 = vector.load %arg3[%get3A_6, %get3A_7] : memref<128x1xf32, #tpu.memory_space<vmem>>, vector<128x1xf32>
    %add3A = vector.broadcast %get3A_8 : vector<128x1xf32> to vector<128x16384xf32>
    %add3A_9 = arith.addf %dot_general3A_5, %add3A : vector<128x16384xf32>
    %max3A = arith.constant 0.000000e+00 : f32
    %max3A_10 = vector.broadcast %max3A : f32 to vector<128x16384xf32>
    %max3A_11 = arith.maximumf %add3A_9, %max3A_10 : vector<128x16384xf32>
    %get3A_12 = arith.constant 0 : index
    %get3A_13 = arith.constant 0 : index
    %get3A_14 = vector.load %arg4[%get3A_12, %get3A_13] : memref<1x128xf32, #tpu.memory_space<vmem>>, vector<1x128xf32>
    %dot_general3A_15 = arith.constant dense<0.000000e+00> : vector<1x16384xf32>
    %dot_general3A_16 = tpu.matmul %get3A_14, %max3A_11, %dot_general3A_15 {dimension_numbers = #tpu.dot_dimension_numbers<[1], [0], [0], [1], [0, 0, 1, 1], [], []>, transpose_lhs_hint = false} : vector<1x128xf32>, vector<128x16384xf32>, vector<1x16384xf32> -> vector<1x16384xf32>
    %reshape3A = vector.shape_cast %dot_general3A_16 : vector<1x16384xf32> to vector<16384xf32>
    %swap3A = arith.constant 0 : index
    %swap3A_17 = vector.load %arg5[%swap3A] : memref<16384xf32, #tpu.memory_space<vmem>>, vector<16384xf32>
    tpu.vector_store %arg5[%swap3A], %reshape3A {strides = array<i32>} : memref<16384xf32, #tpu.memory_space<vmem>>, vector<16384xf32>,
    return
  }
  func.func @transform_0(%arg0: i32) -> (i32, i32) {
    %c0_i32 = arith.constant 0 : i32
    %c0_i32_0 = arith.constant 0 : i32
    return %arg0, %c0_i32 : i32, i32
  }
  func.func @transform_1(%arg0: i32) -> (i32, i32) {
    %c0_i32 = arith.constant 0 : i32
    %c0_i32_0 = arith.constant 0 : i32
    %c0_i32_1 = arith.constant 0 : i32
    return %c0_i32, %c0_i32_0 : i32, i32
  }
  func.func @transform_2(%arg0: i32) -> (i32, i32) {
    %c0_i32 = arith.constant 0 : i32
    %c0_i32_0 = arith.constant 0 : i32
    %c0_i32_1 = arith.constant 0 : i32
    return %c0_i32, %c0_i32_0 : i32, i32
  }
  func.func @transform_3(%arg0: i32) -> (i32, i32) {
    %c0_i32 = arith.constant 0 : i32
    %c0_i32_0 = arith.constant 0 : i32
    %c0_i32_1 = arith.constant 0 : i32
    return %c0_i32, %c0_i32_0 : i32, i32
  }
  func.func @transform_4(%arg0: i32) -> i32 {
    %c0_i32 = arith.constant 0 : i32
    return %arg0 : i32
  }
}

module attributes {stable_mosaic.version = 14 : i64} {
  func.func @_finalize_body(%arg0: memref<32x2048xf32, #tpu.memory_space<vmem>>, %arg1: memref<1xf32, #tpu.memory_space<vmem>>, %arg2: memref<1024xf32, #tpu.memory_space<vmem>>) attributes {dimension_semantics = [], scalar_prefetch = 0 : i64, scratch_operands = 0 : i64, tpu.core_type = #tpu.core_type<tc>} {
    %get3A = arith.constant 0 : index
    %get3A_0 = arith.constant 0 : index
    %get3A_1 = vector.load %arg0[%get3A, %get3A_0] : memref<32x2048xf32, #tpu.memory_space<vmem>>, vector<32x2048xf32>
    %reduce_sum3A = arith.constant dense<0.000000e+00> : vector<2048xf32>
    %reduce_sum3A_2 = vector.multi_reduction <add>, %get3A_1, %reduce_sum3A [0] : vector<32x2048xf32> to vector<2048xf32>
    %slice3A = vector.extract_strided_slice %reduce_sum3A_2 {offsets = [0], sizes = [1024], strides = [1]} : vector<2048xf32> to vector<1024xf32>
    %slice3A_3 = vector.extract_strided_slice %reduce_sum3A_2 {offsets = [1024], sizes = [1024], strides = [1]} : vector<2048xf32> to vector<1024xf32>
    %max3A = arith.constant 1.000000e+00 : f32
    %max3A_4 = vector.broadcast %max3A : f32 to vector<1024xf32>
    %max3A_5 = arith.maximumf %slice3A_3, %max3A_4 : vector<1024xf32>
    %div3A = arith.divf %slice3A, %max3A_5 : vector<1024xf32>
    %get3A_6 = arith.constant 0 : index
    %get3A_7 = vector.load %arg1[%get3A_6] : memref<1xf32, #tpu.memory_space<vmem>>, vector<1xf32>
    %add3A = vector.broadcast %get3A_7 : vector<1xf32> to vector<1024xf32>
    %add3A_8 = arith.addf %div3A, %add3A : vector<1024xf32>
    %swap3A = arith.constant 0 : index
    %swap3A_9 = vector.load %arg2[%swap3A] : memref<1024xf32, #tpu.memory_space<vmem>>, vector<1024xf32>
    tpu.vector_store %arg2[%swap3A], %add3A_8 {strides = array<i32>} : memref<1024xf32, #tpu.memory_space<vmem>>, vector<1024xf32>,
    return
  }
}

</mosaic_0001>

<sc_bundles>
// kernel: kernel.5.cloned.1.call-start
scs
__scs_entry_jumppad:
0x0: {  	(pc) =	sbr.rel $0x88, $3  }
0x1: {  	(tag) =	ssettag $0x0;
	lr =	simm.s32 $0x1  }
0x2: {  	[smem:$0x3F9B] =	sst lr;
	_ =	strace $0xD0000000  }
0x3: {  	_ = 	snop  }
0x4: {  	_ = 	snop  }
0x5: {  	_ = 	snop  }
0x6: {  	_ = 	snop  }
0x7: {  	_ = 	snop  }
__scs_overlays_trampoline_lowered:
0x8: {  	[smem:$0x3FAA] =	sst s0  }
0x9: {  	[smem:$0x3FAB] =	sst s1  }
0xa: {  	[smem:$0x3FAC] =	sst s2  }
0xb: {  	[smem:$0x3FAD] =	sst s3  }
0xc: {  	[smem:$0x3FAE] =	sst s4  }
0xd: {  	[smem:$0x3FAF] =	sst s5  }
0xe: {  	[smem:$0x3FB0] =	sst s6  }
0xf: {  	[smem:$0x3FB1] =	sst s7  }
0x10: {  	[smem:$0x3FB2] =	sst s8  }
0x11: {  	[smem:$0x3FB3] =	sst s9;
	s0 =	simm.s32 @!p0 $0x0  }
0x12: {  	s1 =	sld [smem:$0x3F99];
	s0 =	simm.s32 @p0 $0x1  }
0x13: {  	[smem:$0x3FB4] =	sst s0;
	s0 =	simm.s32 @!p1 $0x0  }
0x14: {  	s2 =	sld [smem:$0x3F98];
	s0 =	simm.s32 @p1 $0x1  }
0x15: {  	[smem:$0x3FB5] =	sst s0;
	s0 =	simm.s32 @!p2 $0x0  }
0x16: {  	s3 =	sld [smem:$0x3FDB];
	s0 =	simm.s32 @p2 $0x1  }
0x17: {  	s4 =	simm.s32 $0x1BF5;
	[smem:$0x3FB7] =	sst s0  }
0x18: {  	s0 =	sld [smem:$0x3F9A];
	_ =	swait.ge [sflag:s4], $0x0  }
0x19: {  	s7 =	sld [smem:$0x3F9B]  }
0x1a: {  	s8 =	sadd.s32 $0xFFFFE003, lr  }
0x1b: {  	s9 =	sadd.s32 $0xFFFFFEF7, lr;
	s5 =	simm.s32 $0xFFFFFFFF;
	p2 =	slt.u32 s8, $0xFFFFF086  }
0x1c: {  	p1 =	slt.u32 s9, $0xF7A;
	s5 =	simm.s32 @!p2 $0x0  }
0x1d: {  	s5 =	simm.s32 @p1 $0x1;
	p0 =	seq.s32 s7, s2  }
0x1e: {  	s7 =	smul.u32 @!p0 $0xF7A, s2;
	p2 =	seq.s32 @!p0 s5, $0x0  }
0x1f: {  	s9 =	smul.u32 $0xF7A, s1;
	s8 =	simm.s32 @!p0 $0x1BF5;
	p2 =	por !p2, p0  }
0x20: {  	[sflag:s8] =	ssyncset.s32 @!p0 $0xFFFFF086;
	s6 =	sadd.s32 @!p0 s3, s7;
	s7 =	simm.s32 @!p0 $0x108  }
0x21: {  	s3 =	sadd.s32 s3, s9;
	s6 =	sadd.s32 @!p0 $0x88, s6;
	s7 =	simm.s32 @p2 $0x1082  }
0x22: {  	[simem:s7], [sflag:s8] =	dma.local @!p0 [hbm:s6], $0xF7A  }
0x23: {  	s9 =	sor.u32 $0xD0000000, s2;
	s6 =	simm.s32 $0x108;
	_ =	swait.ge @!p0 [sflag:s8], $0x0  }
0x24: {  	s3 =	sadd.s32 $0x88, s3;
	s6 =	simm.s32 @!p1 $0x1082;
	[sflag:s4] =	ssyncset.s32 $0xFFFFF086  }
0x25: {  	[simem:s6], [sflag:s4] =	dma.local [hbm:s3], $0xF7A  }
0x26: {  	[smem:$0x3F9B] =	sst s1;
	(tag) =	ssettag s2;
	_ =	strace s9  }
0x27: {  	s1 =	sld [smem:$0x3FAB]  }
0x28: {  	s2 =	sld [smem:$0x3FAC]  }
0x29: {  	s4 =	sld [smem:$0x3FAE]  }
0x2a: {  	p0 =	seq.s32 s5, $0x0;
	s5 =	sld [smem:$0x3FAF]  }
0x2b: {  	s6 =	sld [smem:$0x3FB0]  }
0x2c: {  	s7 =	sld [smem:$0x3FB1]  }
0x2d: {  	s3 =	simm.s32 $0x108;
	s8 =	sld [smem:$0x3FB2]  }
0x2e: {  	s3 =	simm.s32 @!p0 $0x1082;
	s9 =	sld [smem:$0x3FB3]  }
0x2f: {  	lr =	sadd.s32 s0, s3;
	s0 =	sld [smem:$0x3FAA]  }
0x30: {  	s3 =	sld [smem:$0x3FAD]  }
0x31: {  	[smem:$0x3FB6] =	sst s10  }
0x32: {  	s10 =	sld [smem:$0x3FB4];
	_ =	sdelay $0x3  }
0x33: {  	p0 =	seq.s32 s10, $0x1;
	s10 =	sld [smem:$0x3FB6];
	_ =	sdelay $0x3  }
0x34: {  	[smem:$0x3FB6] =	sst s10  }
0x35: {  	s10 =	sld [smem:$0x3FB5];
	_ =	sdelay $0x3  }
0x36: {  	p1 =	seq.s32 s10, $0x1;
	s10 =	sld [smem:$0x3FB6];
	_ =	sdelay $0x3  }
0x37: {  	[smem:$0x3FB6] =	sst s10  }
0x38: {  	s10 =	sld [smem:$0x3FB7]  }
0x39: {  	_ = 	snop;
	(pc) =	sbr.ind lr, $3  }
0x3a: {  	_ = 	snop  }
0x3b: {  	_ = 	snop  }
0x3c: {  	p2 =	seq.s32 s10, $0x1;
	s10 =	sld [smem:$0x3FB6]  }
0x3d: {  	_ =	shalt  }
0x3e: {  	_ =	shalt  }
0x3f: {  	_ =	shalt  }
0x40: {  	_ =	shalt  }
0x41: {  	_ =	shalt  }
0x42: {  	_ =	shalt  }
0x43: {  	_ =	shalt  }
0x44: {  	_ =	shalt  }
0x45: {  	_ =	shalt  }
0x46: {  	_ =	shalt  }
0x47: {  	_ =	shalt  }
0x48: {  	_ =	shalt  }
0x49: {  	_ =	shalt  }
0x4a: {  	_ =	shalt  }
0x4b: {  	_ =	shalt  }
0x4c: {  	_ =	shalt  }
0x4d: {  	_ =	shalt  }
0x4e: {  	_ =	shalt  }
0x4f: {  	_ =	shalt  }
0x50: {  	_ =	shalt  }
0x51: {  	_ =	shalt  }
0x52: {  	_ =	shalt  }
0x53: {  	_ =	shalt  }
0x54: {  	_ =	shalt  }
0x55: {  	_ =	shalt  }
0x56: {  	_ =	shalt  }
0x57: {  	_ =	shalt  }
0x58: {  	_ =	shalt  }
0x59: {  	_ =	shalt  }
0x5a: {  	_ =	shalt  }
0x5b: {  	_ =	shalt  }
0x5c: {  	_ =	shalt  }
0x5d: {  	_ =	shalt  }
0x5e: {  	_ =	shalt  }
0x5f: {  	_ =	shalt  }
0x60: {  	_ =	shalt  }
0x61: {  	_ =	shalt  }
0x62: {  	_ =	shalt  }
0x63: {  	_ =	shalt  }
0x64: {  	_ =	shalt  }
0x65: {  	_ =	shalt  }
0x66: {  	_ =	shalt  }
0x67: {  	_ =	shalt  }
0x68: {  	_ =	shalt  }
0x69: {  	_ =	shalt  }
0x6a: {  	_ =	shalt  }
0x6b: {  	_ =	shalt  }
0x6c: {  	_ =	shalt  }
0x6d: {  	_ =	shalt  }
0x6e: {  	_ =	shalt  }
0x6f: {  	_ =	shalt  }
0x70: {  	_ =	shalt  }
0x71: {  	_ =	shalt  }
0x72: {  	_ =	shalt  }
0x73: {  	_ =	shalt  }
0x74: {  	_ =	shalt  }
0x75: {  	_ =	shalt  }
0x76: {  	_ =	shalt  }
0x77: {  	_ =	shalt  }
0x78: {  	_ =	shalt  }
0x79: {  	_ =	shalt  }
0x7a: {  	_ =	shalt  }
0x7b: {  	_ =	shalt  }
0x7c: {  	_ =	shalt  }
0x7d: {  	_ =	shalt  }
0x7e: {  	_ =	shalt  }
0x7f: {  	_ =	shalt  }
0x80: {  	_ =	shalt  }
0x81: {  	_ =	shalt  }
0x82: {  	_ =	shalt  }
0x83: {  	_ =	shalt  }
0x84: {  	_ =	shalt  }
0x85: {  	_ =	shalt  }
0x86: {  	_ =	shalt  }
0x87: {  	_ =	shalt  }
.Lfunc_end0:
.L_simem_size_0:
called_computation_lowered:
.L_overlay_start_0:
0x88: {  	s2 =	sld [smem:$0x3FD9]  }
0x89: {  	s3 =	sld [smem:$0x3FFE];
	_ =	sdelay $0x1  }
0x8a: {  	s1 =	srdreg.scid  }
0x8b: {  	s0 =	sand.u32 $0x1, s1  }
0x8c: {  	s17 =	sshll.u32 s0, $0xA;
	s2 =	sadd.s32 s3, s2  }
0x8d: {  	s2 =	sadd.s32 s2, s17  }
0x8e: {  	[smem:$0x3FC2] =	sst s2  }
0x8f: {  	_ = 	snop  }
0x90: {  	s2 =	sld [smem:$0x3FC8];
	(tm) =	ssettm $0x1  }
0x91: {  	s18 =	sld [smem:$0x3FFB];
	_ =	sdelay $0x3  }
0x92: {  	_ =	strace s18  }
0x93: {  	s3 =	sld [smem:$0x3FFC];
	_ =	sdelay $0x3  }
0x94: {  	_ =	strace s3  }
0x95: {  	s3 =	sld [smem:$0x3FFD];
	_ =	sdelay $0x3  }
0x96: {  	_ =	strace s3  }
0x97: {  	_ =	strace $0x8FFFFFFF  }
0x98: {  	s19 =	sld [smem:$0x3FDB];
	_ =	sdelay $0x1  }
0x99: {  	s4 =	simm.s32 $_scs_section_size  }
0x9a: {  	s5 =	simm.s32 $_size__tile_overlayer_lowered;
	s6 =	simm.s32 $_tile_overlayer_lowered  }
0x9b: {  	s22 =	simm.s32 $0x1BFF;
	s21 =	sshll.u32 s6, $0x1;
	s3 =	sadd.s32 s4, s19  }
0x9c: {  	s7 =	simm.s32 $0x0;
	s20 =	sshll.u32 s5, $0x1;
	s5 =	sadd.s32 s21, s3  }
0x9d: {  	[timem:s7], [sflag:s22] =	dma.local [hbm:s5], s20  }
0x9e: {  	_ =	swait.ge [sflag:s22], s20  }
0x9f: {  	s4 =	ssub.s32 $0x0, s20;
	[sflag:s22] =	ssyncset.done $0x0  }
0xa0: {  	[sflag:s22] =	ssyncadd.s32 s4;
	_ =	sdelay $0x1  }
0xa1: {  	s23 =	simm.s32 $0x1B8B  }
0xa2: {  	_ =	swait.ge [sflag:s23], $0x1  }
0xa3: {  	[sflag:s23] =	ssyncset.done $0x0  }
0xa4: {  	s25 =	simm.s32 $0x1B8E;
	s24 =	sld [smem:$0x3FFE];
	[sflag:s23] =	ssyncadd.s32 $0xFFFFFFFF  }
0xa5: {  	s26 =	simm.s32 $execute0_lowered;
	[smem:$0x3FD2] =	sst s25  }
0xa6: {  	s5 =	sshll.u32 s26, $0x1;
	_ =	strace $0x80000046;
	[dreg:$0x1] =	wrdreg $0xFFFFFFFF  }
0xa7: {  	s28 =	simm.s32 $_size_execute0_lowered;
	s3 =	sadd.s32 s3, s5;
	[dreg:$0x0] =	wrdreg $0x0  }
0xa8: {  	s5 =	sshll.u32 s28, $0x1;
	[dreg:$0x2] =	wrdreg s3  }
0xa9: {  	[dreg:$0x3] =	wrdreg s5  }
0xaa: {  	[dreg:$0x4] =	wrdreg $0xC0  }
0xab: {  	_ =	task [dreg:s7], $0x5FFFF  }
0xac: {  	[dreg:$0x1] =	wrdreg $0xFFFFFFFF  }
0xad: {  	[dreg:$0x0] =	wrdreg $0x60  }
0xae: {  	[dreg:$0x2] =	wrdreg s2  }
0xaf: {  	[dreg:$0x3] =	wrdreg s24  }
0xb0: {  	[dreg:$0x4] =	wrdreg $0x9  }
0xb1: {  	_ =	task.clear_ibuf [dreg:s7], $0x5FFFF;
	_ =	strace $0x90000046  }
0xb2: {  	s29 =	simm.s32 $0x9;
	_ =	strace $0x80000048  }
0xb3: {  	_ =	swait.ge [sflag:s29], $0x1  }
0xb4: {  	[sflag:s29] =	ssyncadd.s32 $0xFFFFFFFF  }
0xb5: {  	_ =	strace $0x90000048  }
0xb6: {  	_ =	sfence  }
0xb7: {  	s30 =	sld [smem:$0x0];
	_ =	sdelay $0x2  }
0xb8: {  	s31 =	sshll.u32 s1, $0xD;
	s1 =	sshrl.u32 s1, $0x2  }
0xb9: {  	s3 =	sand.u32 $0x4000, s31;
	s1 =	sadd.s32 s1, s30  }
0xba: {  	s0 =	sor.u32 s3, s0;
	s1 =	sshll.u32 s1, $0x11  }
0xbb: {  	s0 =	sor.u32 s1, s0  }
0xbc: {  	s0 =	sadd.s32 $0x8F2B, s0  }
0xbd: {  	[sflag:s0] =	ssyncadd.remote.s32 $0x1  }
0xbe: {  	_ =	sfence.sel $0xFFFF  }
0xbf: {  	[dreg:$0x0] =	wrdreg $0xFFFFFFFF;
	(pc) =	sbr.abs _section_cstart, $3  }
0xc0: {  	[dreg:$0x1] =	wrdreg $0xFFFFFFFF  }
0xc1: {  	_ =	task.clear_ibuf [dreg:s7], $0x2FFFF;
	_ =	strace $0x9FFFFFFF  }
0xc2: {  	(tm) =	ssettm $0x7FFFFFFF  }
0xc3: {  	_ =	shalt  }
tec
execute0_lowered:
.L_overlay_start_1:
0x0: {  	(tag) =	ssettag $0x1  }
0x1: {  	s3 =	rddreg [dreg:$0x0]  }
0x2: {  	s4 =	rddreg [dreg:$0x1]  }
0x3: {  	s0 =	rddreg [dreg:$0x2];
	s5 =	srdreg.scid  }
0x4: {  	s1 =	stileid.u32;
	s2 =	simm.s32 $0x0;
	s10 =	simm.s32 $0x8F00  }
0x5: {  	s11 =	simm.s32 $0x80;
	s12 =	simm.s32 $0x400;
	s13 =	simm.s32 $0xCF00  }
0x6: {  	s14 =	simm.s32 $0x0;
	s5 =	sand.u32 $0x1, s5;
	s6 =	sshll.u32 s1, $0x1  }
0x7: {  	[smem:$0x7FF] =	sst s2;
	s8 =	sshll.u32 s1, $0x9;
	s6 =	sor.u32 s5, s6  }
0x8: {  	_ =	strace $0x80000047;
	s8 =	sand.u32 $0x1800, s8;
	s5 =	ssub.s32 $0x2, s5  }
0x9: {  	s7 =	smul.u32 $0x4E2, s6;
	s6 =	sshll.u32 s6, $0x4;
	s9 =	sshrl.u32 s5, $0x1  }
0xa: {  	s8 =	sadd.s32 s8, s4;
	s6 =	sand.u32 $0x70, s6;
	s9 =	ssub.s32 s5, s9  }
0xb: {  	s4 =	sadd.s32 s7, s4;
	s31 =	sadd.s32 s6, s8;
	s3 =	sadd.s32 s3, s7  }
0xc: {  	v1 =	vlaneseq.u32;
	s6 =	smax.u32 s9, $0x1;
	s7 =	simm.s32 $0x1;
	s8 =	simm.s32 $0x2780  }
0xd: {  	v0 =	vimm.f32 $0.0e+00;
	v2 =	vimm.f32 $1.000000000e+00;
	v1 =	vmul.u32 $0x400, v1;
	s9 =	simm.s32 $0x4F00;
	s4 =	sadd.s32 $0xE00, s4;
	s5 =	sadd.s32 $0xAE00, s31  }
.LBB2_1:
0xe: {  	[tilespmem:s2], [sflag:$0x1] =	stream.linear.gather [hbm4b:s3+s2], $0x2710, $0x38;
	[tilespmem:$0xD700] =	vst v63  }
0xf: {  	_ =	swait.ge [sflag:s7], $0x2710  }
0x10: {  	[sflag:s7] =	ssyncset.done $0x0  }
0x11: {  	[sflag:s7] =	ssyncadd.s32 $0xFFFFD8F0  }
0x12: {  	[tilespmem:s8], [sflag:$0x1] =	stream.linear.gather [hbm4b:s4+s2], $0x2710, $0x38;
	[tilespmem:$0xD700] =	vst v63  }
0x13: {  	_ =	swait.ge [sflag:s7], $0x2710  }
0x14: {  	[sflag:s7] =	ssyncset.done $0x0  }
0x15: {  	s15 =	simm.s32 $0x40;
	s16 =	simm.s32 $0x0;
	[sflag:s7] =	ssyncadd.s32 $0xFFFFD8F0  }
.LBB2_2:
0x16: {  	p0 =	sne.s32 s15, $0xFFC0;
	[tilespmem:s16+$0x4F00] =	vst v0;
	s17 =	smov.u32 s15;
	s15 =	sadd.s32 $0x40, s15  }
.Ltmp0:
0x17: {  	[tilespmem:s16+$0x8F00] =	vst v0;
	(pc) =	sbr.rel @p0 .LBB2_2-.Ltmp0, $2  }
0x18: {  	_ =	sdelay $0x2  }
0x19: {  	s16 =	sshra.s32 s17, $0x2  }
0x1a: {  	[tilespmem:s16+$0x4F00] =	vst v0  }
0x1b: {  	[tilespmem:s16+$0x8F00] =	vst v0;
	s16 =	simm.s32 $0x0  }
0x1c: {  	s15 =	simm.s32 $0x40;
	v3 =	vld [tilespmem:s16+$0x0]  }
.LBB2_4:
0x1d: {  	p0 =	sne.s32 s15, $0x9C00;
	_ =	sdelay $0x3  }
0x1e: {  	v4 =	vld [tilespmem:s16+$0x2780];
	v3 =	vadd.s32 v1, v3;
	_ =	sdelay $0x2  }
.Ltmp1:
0x1f: {  	(pc) =	sbr.rel @p0 .LBB2_4-.Ltmp1, $4  }
0x20: {  	_ = 	snop  }
0x21: {  	[tilespmem:v3+s9+$0x0] =	vst.idx.add.f32.msk $0xffff, v4  }
0x22: {  	s16 =	sshra.s32 s15, $0x2;
	[tilespmem:v3+s10+$0x0] =	vst.idx.add.f32.msk $0xffff, v2  }
0x23: {  	s15 =	sadd.s32 $0x40, s15;
	v3 =	vld [tilespmem:s16+$0x0]  }
0x24: {  	_ =	sdelay $0x3  }
0x25: {  	v4 =	vld [tilespmem:s16+$0x2780];
	v3 =	vadd.s32 v1, v3;
	_ =	sdelay $0x4  }
0x26: {  	[tilespmem:v3+s9+$0x0] =	vst.idx.add.f32.msk $0xffff, v4  }
0x27: {  	s15 =	simm.s32 $0x0;
	[tilespmem:v3+s10+$0x0] =	vst.idx.add.f32.msk $0xffff, v2  }
0x28: {  	v3 =	vld [tilespmem:s15+$0x8F00]  }
0x29: {  	v4 =	vld [tilespmem:s15+$0x4F00]  }
0x2a: {  	v5 =	vld [tilespmem:s15+$0x9300]  }
0x2b: {  	v6 =	vld [tilespmem:s15+$0x5300]  }
0x2c: {  	v7 =	vld [tilespmem:s15+$0x9700]  }
0x2d: {  	v8 =	vld [tilespmem:s15+$0x5700];
	v3 =	vadd.f32 $0.0e+00, v3  }
0x2e: {  	v9 =	vld [tilespmem:s15+$0x9B00];
	v4 =	vadd.f32 $0.0e+00, v4  }
0x2f: {  	v3 =	vadd.f32 v5, v3;
	v5 =	vld [tilespmem:s15+$0x5B00]  }
0x30: {  	v10 =	vld [tilespmem:s15+$0x9F00];
	v4 =	vadd.f32 v6, v4  }
0x31: {  	v6 =	vld [tilespmem:s15+$0x5F00];
	v3 =	vadd.f32 v7, v3  }
0x32: {  	v7 =	vld [tilespmem:s15+$0xA300];
	v4 =	vadd.f32 v8, v4  }
0x33: {  	v8 =	vld [tilespmem:s15+$0x6300];
	v3 =	vadd.f32 v9, v3  }
0x34: {  	v9 =	vld [tilespmem:s15+$0xA700];
	v4 =	vadd.f32 v5, v4  }
0x35: {  	v5 =	vld [tilespmem:s15+$0x6700];
	v3 =	vadd.f32 v10, v3  }
0x36: {  	v10 =	vld [tilespmem:s15+$0xAB00];
	v4 =	vadd.f32 v6, v4  }
0x37: {  	v6 =	vld [tilespmem:s15+$0x6B00];
	v3 =	vadd.f32 v7, v3  }
0x38: {  	v7 =	vld [tilespmem:s15+$0xAF00];
	v4 =	vadd.f32 v8, v4  }
0x39: {  	v8 =	vld [tilespmem:s15+$0x6F00];
	v3 =	vadd.f32 v9, v3  }
0x3a: {  	v9 =	vld [tilespmem:s15+$0xB300];
	v4 =	vadd.f32 v5, v4  }
0x3b: {  	v5 =	vld [tilespmem:s15+$0x7300];
	v3 =	vadd.f32 v10, v3  }
0x3c: {  	v10 =	vld [tilespmem:s15+$0xB700];
	v4 =	vadd.f32 v6, v4  }
0x3d: {  	v6 =	vld [tilespmem:s15+$0x7700];
	v3 =	vadd.f32 v7, v3  }
0x3e: {  	v7 =	vld [tilespmem:s15+$0xBB00];
	v4 =	vadd.f32 v8, v4  }
0x3f: {  	v8 =	vld [tilespmem:s15+$0x7B00];
	v3 =	vadd.f32 v9, v3  }
0x40: {  	v9 =	vld [tilespmem:s15+$0xBF00];
	v4 =	vadd.f32 v5, v4  }
0x41: {  	v3 =	vadd.f32 v10, v3;
	v10 =	vld [tilespmem:s15+$0x7F00]  }
0x42: {  	v11 =	vld [tilespmem:s15+$0xC300];
	v5 =	vadd.f32 v6, v4  }
0x43: {  	v6 =	vadd.f32 v7, v3;
	v3 =	vld [tilespmem:s15+$0x8300]  }
0x44: {  	v4 =	vld [tilespmem:s15+$0xC700];
	v7 =	vadd.f32 v8, v5  }
0x45: {  	v5 =	vld [tilespmem:s15+$0x8700];
	v9 =	vadd.f32 v9, v6  }
0x46: {  	v6 =	vld [tilespmem:s15+$0xCB00];
	v8 =	vadd.f32 v10, v7  }
0x47: {  	s16 =	simm.s32 $0x10;
	s17 =	simm.s32 $0x80;
	v7 =	vld [tilespmem:s15+$0x8B00];
	v9 =	vadd.f32 v11, v9  }
.LBB2_6:
0x48: {  	p0 =	sne.s32 s17, $0xFC0;
	v10 =	vld [tilespmem:s16+$0x8F00];
	v3 =	vadd.f32 v3, v8  }
0x49: {  	v8 =	vld [tilespmem:s16+$0x4F00];
	v4 =	vadd.f32 v4, v9  }
0x4a: {  	v9 =	vld [tilespmem:s16+$0x9300];
	v3 =	vadd.f32 v5, v3  }
0x4b: {  	v5 =	vld [tilespmem:s16+$0x5300];
	v4 =	vadd.f32 v6, v4  }
0x4c: {  	v6 =	vld [tilespmem:s16+$0x9700];
	v3 =	vadd.f32 v7, v3  }
0x4d: {  	v7 =	vadd.f32 $0.0e+00, v10;
	v10 =	vld [tilespmem:s16+$0x5700];
	[tilespmem:s15+$0xD300] =	vst v4  }
0x4e: {  	v4 =	vadd.f32 $0.0e+00, v8;
	v8 =	vld [tilespmem:s16+$0x9B00];
	[tilespmem:s15+$0xCF00] =	vst v3;
	s15 =	smov.u32 s16  }
0x4f: {  	v3 =	vadd.f32 v9, v7;
	v7 =	vld [tilespmem:s15+$0x5B00]  }
0x50: {  	v4 =	vadd.f32 v5, v4;
	v5 =	vld [tilespmem:s15+$0x9F00]  }
0x51: {  	v3 =	vadd.f32 v6, v3;
	v6 =	vld [tilespmem:s15+$0x5F00]  }
0x52: {  	v4 =	vadd.f32 v10, v4;
	v9 =	vld [tilespmem:s15+$0xA300]  }
0x53: {  	v3 =	vadd.f32 v8, v3;
	v8 =	vld [tilespmem:s15+$0x6300]  }
0x54: {  	v4 =	vadd.f32 v7, v4;
	v7 =	vld [tilespmem:s15+$0xA700]  }
0x55: {  	v3 =	vadd.f32 v5, v3;
	v5 =	vld [tilespmem:s15+$0x6700]  }
0x56: {  	v4 =	vadd.f32 v6, v4;
	v6 =	vld [tilespmem:s15+$0xAB00]  }
0x57: {  	v3 =	vadd.f32 v9, v3;
	v9 =	vld [tilespmem:s15+$0x6B00]  }
0x58: {  	v4 =	vadd.f32 v8, v4;
	v8 =	vld [tilespmem:s15+$0xAF00]  }
0x59: {  	v3 =	vadd.f32 v7, v3;
	v7 =	vld [tilespmem:s15+$0x6F00]  }
0x5a: {  	v4 =	vadd.f32 v5, v4;
	v5 =	vld [tilespmem:s15+$0xB300]  }
0x5b: {  	v3 =	vadd.f32 v6, v3;
	v6 =	vld [tilespmem:s15+$0x7300]  }
0x5c: {  	v4 =	vadd.f32 v9, v4;
	v9 =	vld [tilespmem:s15+$0xB700]  }
0x5d: {  	v3 =	vadd.f32 v8, v3;
	v8 =	vld [tilespmem:s15+$0x7700]  }
0x5e: {  	v4 =	vadd.f32 v7, v4;
	v7 =	vld [tilespmem:s15+$0xBB00]  }
0x5f: {  	v3 =	vadd.f32 v5, v3;
	v5 =	vld [tilespmem:s15+$0x7B00]  }
0x60: {  	v4 =	vadd.f32 v6, v4;
	v6 =	vld [tilespmem:s15+$0xBF00]  }
0x61: {  	v3 =	vadd.f32 v9, v3;
	v9 =	vld [tilespmem:s15+$0x7F00]  }
0x62: {  	v4 =	vadd.f32 v8, v4;
	v10 =	vld [tilespmem:s15+$0xC300]  }
.Ltmp2:
0x63: {  	v7 =	vadd.f32 v7, v3;
	v3 =	vld [tilespmem:s15+$0x8300];
	(pc) =	sbr.rel @p0 .LBB2_6-.Ltmp2, $4  }
0x64: {  	v8 =	vadd.f32 v5, v4;
	v4 =	vld [tilespmem:s15+$0xC700]  }
0x65: {  	v7 =	vadd.f32 v6, v7;
	v5 =	vld [tilespmem:s15+$0x8700]  }
0x66: {  	v8 =	vadd.f32 v9, v8;
	v6 =	vld [tilespmem:s15+$0xCB00]  }
0x67: {  	s16 =	sshra.s32 s17, $0x2;
	s17 =	sadd.s32 $0x40, s17;
	v9 =	vadd.f32 v10, v7;
	v7 =	vld [tilespmem:s15+$0x8B00]  }
0x68: {  	v10 =	vld [tilespmem:s16+$0x8F00];
	v3 =	vadd.f32 v3, v8  }
0x69: {  	v11 =	vld [tilespmem:s16+$0x4F00];
	v4 =	vadd.f32 v4, v9  }
0x6a: {  	v31 =	vld [tilespmem:s16+$0x9300];
	v3 =	vadd.f32 v5, v3  }
0x6b: {  	v32 =	vld [tilespmem:s16+$0x5300];
	v4 =	vadd.f32 v6, v4  }
0x6c: {  	v33 =	vld [tilespmem:s16+$0x9700];
	v3 =	vadd.f32 v7, v3  }
0x6d: {  	v34 =	vld [tilespmem:s16+$0x5700];
	[tilespmem:s15+$0xD300] =	vst v4;
	v35 =	vadd.f32 $0.0e+00, v10  }
0x6e: {  	v37 =	vadd.f32 $0.0e+00, v11;
	v36 =	vld [tilespmem:s16+$0x9B00];
	[tilespmem:s15+$0xCF00] =	vst v3  }
0x6f: {  	v3 =	vadd.f32 v31, v35;
	v38 =	vld [tilespmem:s16+$0x5B00]  }
0x70: {  	v39 =	vadd.f32 v32, v37;
	v40 =	vld [tilespmem:s16+$0x9F00]  }
0x71: {  	v41 =	vld [tilespmem:s16+$0x5F00];
	v3 =	vadd.f32 v33, v3  }
0x72: {  	v42 =	vld [tilespmem:s16+$0xA300];
	v6 =	vadd.f32 v34, v39  }
0x73: {  	v43 =	vld [tilespmem:s16+$0x6300];
	v3 =	vadd.f32 v36, v3  }
0x74: {  	v44 =	vld [tilespmem:s16+$0xA700];
	v4 =	vadd.f32 v38, v6  }
0x75: {  	v45 =	vld [tilespmem:s16+$0x6700];
	v3 =	vadd.f32 v40, v3  }
0x76: {  	v46 =	vld [tilespmem:s16+$0xAB00];
	v4 =	vadd.f32 v41, v4  }
0x77: {  	v47 =	vld [tilespmem:s16+$0x6B00];
	v3 =	vadd.f32 v42, v3  }
0x78: {  	v48 =	vld [tilespmem:s16+$0xAF00];
	v4 =	vadd.f32 v43, v4  }
0x79: {  	v49 =	vld [tilespmem:s16+$0x6F00];
	v3 =	vadd.f32 v44, v3  }
0x7a: {  	v50 =	vld [tilespmem:s16+$0xB300];
	v4 =	vadd.f32 v45, v4  }
0x7b: {  	v51 =	vld [tilespmem:s16+$0x7300];
	v3 =	vadd.f32 v46, v3  }
0x7c: {  	v52 =	vld [tilespmem:s16+$0xB700];
	v4 =	vadd.f32 v47, v4  }
0x7d: {  	v53 =	vld [tilespmem:s16+$0x7700];
	v3 =	vadd.f32 v48, v3  }
0x7e: {  	v54 =	vld [tilespmem:s16+$0xBB00];
	v4 =	vadd.f32 v49, v4  }
0x7f: {  	v55 =	vld [tilespmem:s16+$0x7B00];
	v3 =	vadd.f32 v50, v3  }
0x80: {  	v56 =	vld [tilespmem:s16+$0xBF00];
	v4 =	vadd.f32 v51, v4  }
0x81: {  	v57 =	vld [tilespmem:s16+$0x7F00];
	v3 =	vadd.f32 v52, v3  }
0x82: {  	v58 =	vld [tilespmem:s16+$0xC300];
	v4 =	vadd.f32 v53, v4  }
0x83: {  	v59 =	vld [tilespmem:s16+$0x8300];
	v3 =	vadd.f32 v54, v3  }
0x84: {  	v60 =	vld [tilespmem:s16+$0xC700];
	v4 =	vadd.f32 v55, v4  }
0x85: {  	v61 =	vld [tilespmem:s16+$0x8700];
	v3 =	vadd.f32 v56, v3  }
0x86: {  	v62 =	vld [tilespmem:s16+$0xCB00];
	v4 =	vadd.f32 v57, v4  }
0x87: {  	v63 =	vld [tilespmem:s16+$0x8B00];
	v3 =	vadd.f32 v58, v3  }
0x88: {  	v4 =	vadd.f32 v59, v4  }
0x89: {  	v3 =	vadd.f32 v60, v3  }
0x8a: {  	v4 =	vadd.f32 v61, v4  }
0x8b: {  	v3 =	vadd.f32 v62, v3  }
0x8c: {  	s14 =	sadd.s32 $0x1, s14;
	v4 =	vadd.f32 v63, v4  }
0x8d: {  	p0 =	sne.s32 s14, s6;
	[tilespmem:s16+$0xD300] =	vst v3  }
.Ltmp3:
0x8e: {  	[tilespmem:s16+$0xCF00] =	vst v4;
	(pc) =	sbr.rel @p0 .LBB2_1-.Ltmp3, $4  }
0x8f: {  	[hbm4b:s5+s11] =	stream.strided.scatter [tilespmem:s13], [sflag:$0x1], $0x800, s12, s11, $0x38;
	[tilespmem:$0xD700] =	vst v63  }
0x90: {  	_ =	swait.ge [sflag:s7], $0x800  }
0x91: {  	[sflag:s7] =	ssyncset.done $0x0  }
0x92: {  	[sflag:s7] =	ssyncadd.s32 $0xFFFFF800  }
0x93: {  	_ =	sfence.sel $0x180000  }
0x94: {  	[bflag:$0x0] =	sbarrier.arrive $0xFFFF  }
0x95: {  	p0 =	sne.s32 s1, $0x0;
	_ =	strace $0x90000047  }
0x96: {  	s0 =	sadd.s32 @!p0 $0x100000, s0;
	[bflag:$0x2] =	sbarrier.arrive $0xFFFF  }
0x97: {  	[sflag:s0] =	ssyncadd.tile.s32 @!p0 $0x1;
	_ =	shalt  }
.Lfunc_end2:
_tile_overlayer_lowered:
.L_overlay_start_2:
0x98: {  	(tag) =	ssettag $0x2  }
0x99: {  	s0 =	rddreg [dreg:$0x0];
	s2 =	stileid.u32  }
0x9a: {  	s1 =	rddreg [dreg:$0x1];
	p0 =	sne.s32 s2, $0x0  }
0x9b: {  	s3 =	rddreg [dreg:$0x2];
	[bflag:$0x3] =	sbarrier.arrive $0xFFFF;
	s2 =	simm.s32 @!p0 $0x1C01  }
0x9c: {  	[timem:s3], [sflag:s2] =	dma.local @!p0 [hbm:s0], s1  }
0x9d: {  	s0 =	simm.s32 @!p0 $0x1  }
0x9e: {  	_ =	swait.ge @!p0 [sflag:s0], s1  }
0x9f: {  	s1 =	ssub.s32 @!p0 $0x0, s1;
	[sflag:s0] =	ssyncset.done @!p0 $0x0  }
0xa0: {  	[sflag:s0] =	ssyncadd.s32 @!p0 s1  }
0xa1: {  	[bflag:$0x3] =	sbarrier.arrive $0xFFFF  }
0xa2: {  	_ =	shalt  }

</sc_bundles>
